<compile_context>
chip_gen: v7x
topology: tpu7x:2x2x1
jax: 0.10.2.dev20260603
libtpu: 0.0.44.dev20260713+nightly
codegen_flags: <defaults>
</compile_context>

<pallas_src>
import jax
import jax.numpy as jnp
from jax import lax
from jax.experimental import pallas as pl
from jax.experimental.pallas import tpu as pltpu
from jax.experimental.pallas import tpu_sc as plsc

B = 4096
N_FIELDS = 26
VOCAB = 100000
D_EMB = 64

NUM_CORES = 2
NUM_SUBCORES = 16
NUM_WORKERS = NUM_CORES * NUM_SUBCORES
D_PER_W = D_EMB // NUM_WORKERS
LANES = 16
B_GROUPS = B // LANES


def _sc_gather_sum_t(src_t, tab_t):
    mesh = plsc.VectorSubcoreMesh(
        core_axis_name="c", subcore_axis_name="s",
        num_cores=NUM_CORES, num_subcores=NUM_SUBCORES,
    )

    def body(src_hbm, tab_hbm, st_hbm, idx_v, row_v, acc_v):
        cid = lax.axis_index("c")
        sid = lax.axis_index("s")
        wid = sid * NUM_CORES + cid
        zero = jnp.zeros((LANES,), jnp.float32)

        def zbody(g, carry):
            acc_v[pl.ds(pl.multiple_of(g * LANES, LANES), LANES)] = zero
            return carry

        lax.fori_loop(0, D_PER_W * B_GROUPS, zbody, 0)

        def fbody(f, carry):
            pltpu.sync_copy(src_hbm.at[f], idx_v)
            for dd in range(D_PER_W):
                d = wid * D_PER_W + dd
                pltpu.sync_copy(tab_hbm.at[f, d], row_v)
                ab = dd * B

                def gbody(g8, c2):
                    ob = pl.multiple_of(g8 * (8 * LANES), 8 * LANES)
                    for u in range(8):
                        o = ob + u * LANES
                        idx = idx_v[pl.ds(o, LANES)]
                        vals = plsc.load_gather(row_v, [idx])
                        plsc.addupdate(acc_v.at[pl.ds(ab + o, LANES)], vals)
                    return c2

                lax.fori_loop(0, B_GROUPS // 8, gbody, 0)
            return carry

        lax.fori_loop(0, N_FIELDS, fbody, 0)
        pltpu.sync_copy(acc_v,
                        st_hbm.at[pl.ds(wid * D_PER_W * B, D_PER_W * B)])

    call = pl.kernel(
        body,
        out_type=jax.ShapeDtypeStruct((D_EMB * B,), jnp.float32),
        mesh=mesh,
        name="sc_gather_sum_t",
        scratch_types=[
            pltpu.VMEM((B,), jnp.int32),
            pltpu.VMEM((VOCAB,), jnp.float32),
            pltpu.VMEM((D_PER_W * B,), jnp.float32),
        ],
        compiler_params=pltpu.CompilerParams(use_tc_tiling_on_sc=True,
                                             needs_layout_passes=False),
    )
    return call(src_t, tab_t)


def _tc_mlp_t(st, W1, b1, W2, b2):

    def body(st_ref, w1_ref, b1_ref, w2_ref, b2_ref, o_ref):
        g = jnp.dot(w2_ref[...], w1_ref[...],
                    preferred_element_type=jnp.float32)
        o = jnp.dot(g, st_ref[...], preferred_element_type=jnp.float32)
        c = jnp.sum(w2_ref[...][:1, :] * b1_ref[...]) + b2_ref[0]
        o_ref[...] = o + jnp.float32(N_FIELDS) * c

    w2p = jnp.zeros((128, 32), jnp.float32).at[0, :].set(W2[0])
    return pl.pallas_call(
        body,
        in_specs=[
            pl.BlockSpec(memory_space=pltpu.VMEM),
            pl.BlockSpec(memory_space=pltpu.VMEM),
            pl.BlockSpec(memory_space=pltpu.VMEM),
            pl.BlockSpec(memory_space=pltpu.VMEM),
            pl.BlockSpec(memory_space=pltpu.SMEM),
        ],
        out_shape=jax.ShapeDtypeStruct((128, B), jnp.float32),
    )(st, W1, b1.reshape(1, 32), w2p, b2.reshape(1,))


def kernel(src, tables, W1, b1, W2, b2):
    src_t = src.astype(jnp.int32).T
    tab_t = tables.transpose(0, 2, 1)
    st = _sc_gather_sum_t(src_t, tab_t)
    out_t = _tc_mlp_t(st.reshape(D_EMB, B), W1, b1, W2, b2)
    return out_t[0].reshape(B, 1)

# --- scband reference (transcript-rebuilt; emitter-appended) ---
"""Pipeline reference for scband-dnn-24464133718540 (READ-ONLY COPY).

The authoritative reference and input builder live on the scoring server;
editing this copy changes nothing except your own understanding.
"""

import jax, jax.numpy as jnp
import numpy as np

B = 4096
N_FIELDS = 26
VOCAB = 100000
D_EMB = 64


def setup_inputs(seed: int = 0) -> dict:
    key = jax.random.key(seed)
    k_src, k_tab, k_w1, k_b1, k_w2, k_b2 = jax.random.split(key, 6)
    src = jax.random.randint(k_src, (B, N_FIELDS), 0, VOCAB, dtype=jnp.int64 if jax.config.jax_enable_x64 else jnp.int32)
    # one embedding table per sparse field (nn.ModuleList of nn.Embedding), stacked
    tables = jax.random.normal(k_tab, (N_FIELDS, VOCAB, D_EMB), dtype=jnp.float32) * 0.02
    W1 = jax.random.normal(k_w1, (32, D_EMB), dtype=jnp.float32) * (1.0 / np.sqrt(D_EMB))
    b1 = jax.random.normal(k_b1, (32,), dtype=jnp.float32) * 0.01
    W2 = jax.random.normal(k_w2, (1, 32), dtype=jnp.float32) * (1.0 / np.sqrt(32))
    b2 = jax.random.normal(k_b2, (1,), dtype=jnp.float32) * 0.01
    return {"src": src, "tables": tables, "W1": W1, "b1": b1, "W2": W2, "b2": b2}


def reference(src, tables, W1, b1, W2, b2):
    # per-field embedding lookup: emb_j(src[:, j]) for j in range(N_FIELDS)
    # gathered: [B, N_FIELDS, D_EMB]
    gathered = jnp.stack([jnp.take(tables[j], src[:, j], axis=0) for j in range(N_FIELDS)], axis=1)
    # linear_1: [B, N_FIELDS, 32]
    h = jnp.einsum('bfd,od->bfo', gathered, W1) + b1
    # linear_2: [B, N_FIELDS, 1]
    out = jnp.einsum('bfo,po->bfp', h, W2) + b2
    # sum over field dim -> [B, 1]
    result = jnp.sum(out, axis=1)
    return result

if __name__ == "__main__":
    import jax
    _d = setup_inputs()
    print(jax.jit(kernel)(*tuple(_d.values())))

</pallas_src>

<mosaic_0001>
#map = affine_map<(d0, d1) -> (0, 0)>
#map1 = affine_map<(d0, d1) -> (0, 0, 0)>
#map2 = affine_map<(d0, d1) -> (0)>
module attributes {stable_mosaic.version = 14 : i64} {
  func.func @sc_gather_sum_t(%arg0: i32, %arg1: i32, %arg2: memref<26x4096xi32, #tpu.memory_space<hbm>>, %arg3: memref<26x64x100000xf32, #tpu.memory_space<hbm>>, %arg4: memref<262144xf32, #tpu.memory_space<hbm>>, %arg5: memref<4096xi32, #tpu.memory_space<vmem>>, %arg6: memref<100000xf32, #tpu.memory_space<vmem>>, %arg7: memref<8192xf32, #tpu.memory_space<vmem>>) attributes {dimension_semantics = [#tpu.dimension_semantics<core_parallel>, #tpu.dimension_semantics<subcore_parallel>], iteration_bounds = array<i64: 2, 16>, scalar_prefetch = 0 : i64, scratch_operands = 3 : i64, tpu.core_type = #tpu.core_type<sc_vector_subcore>, window_params = [{transform_indices = #map}, {transform_indices = #map1}, {transform_indices = #map2}]} {
    %mul3A = arith.constant 2 : i32
    %mul3A_0 = arith.muli %arg1, %mul3A : i32
    %add3A = arith.addi %mul3A_0, %arg0 : i32
    %broadcast_in_dim3A = arith.constant 0.000000e+00 : f32
    %broadcast_in_dim3A_1 = vector.broadcast %broadcast_in_dim3A : f32 to vector<16xf32>
    %scan3A = arith.constant 0 : i32
    %scan3A_2 = arith.constant 0 : i32
    %scan3A_3 = arith.constant 512 : i32
    %scan3A_4 = arith.addi %scan3A_2, %scan3A_3 : i32
    %scan3A_5 = arith.constant 1 : i32
    scf.for %scan3A_17 = %scan3A_2 to %scan3A_4 step %scan3A_5  : i32 {
      %mul3A_18 = arith.constant 16 : i32
      %mul3A_19 = arith.muli %scan3A_17, %mul3A_18 : i32
      %multiple_of3A = tpu.assume_multiple %mul3A_19, 16 : i32
      %swap3A = arith.index_cast %multiple_of3A : i32 to index
      %swap3A_20 = tpu.vector_load %arg7[%swap3A] {strides = array<i32>} : memref<8192xf32, #tpu.memory_space<vmem>>, vector<16xf32>,
      tpu.vector_store %arg7[%swap3A], %broadcast_in_dim3A_1 {strides = array<i32>} : memref<8192xf32, #tpu.memory_space<vmem>>, vector<16xf32>,
    }
    %scan3A_6 = arith.constant 512 : i32
    %scan3A_7 = arith.constant 0 : i32
    %scan3A_8 = arith.constant 0 : i32
    %scan3A_9 = arith.constant 26 : i32
    %scan3A_10 = arith.addi %scan3A_8, %scan3A_9 : i32
    %scan3A_11 = arith.constant 1 : i32
    scf.for %scan3A_17 = %scan3A_8 to %scan3A_10 step %scan3A_11  : i32 {
      "tpu.region"() ({
        %run_scoped3A = tpu.sem_alloc : memref<!tpu.dma_semaphore, #tpu.memory_space<semaphore_mem>>
        %dma_start3A = arith.constant 0 : i32
        %dma_start3A_38 = tpu.memref_slice %arg2[%scan3A_17, %dma_start3A] : memref<26x4096xi32, #tpu.memory_space<hbm>> -> memref<1x4096xi32, #tpu.memory_space<hbm>>
        %dma_start3A_39 = tpu.memref_squeeze %dma_start3A_38 : memref<1x4096xi32, #tpu.memory_space<hbm>> -> memref<4096xi32, #tpu.memory_space<hbm>>
        %dma_start3A_40 = arith.constant 0 : i32
        %dma_start3A_41 = tpu.memref_slice %arg2[%scan3A_17, %dma_start3A_40] : memref<26x4096xi32, #tpu.memory_space<hbm>> -> memref<1x4096xi32, #tpu.memory_space<hbm>>
        %dma_start3A_42 = tpu.memref_squeeze %dma_start3A_41 : memref<1x4096xi32, #tpu.memory_space<hbm>> -> memref<4096xi32, #tpu.memory_space<hbm>>
        tpu.enqueue_dma source(%dma_start3A_42 : memref<4096xi32, #tpu.memory_space<hbm>>) target(%arg5 : memref<4096xi32, #tpu.memory_space<vmem>>) target_semaphore(%run_scoped3A : memref<!tpu.dma_semaphore, #tpu.memory_space<semaphore_mem>>)
        %dma_wait3A = arith.constant 0 : i32
        %dma_wait3A_43 = tpu.memref_slice %arg2[%scan3A_17, %dma_wait3A] : memref<26x4096xi32, #tpu.memory_space<hbm>> -> memref<1x4096xi32, #tpu.memory_space<hbm>>
        %dma_wait3A_44 = tpu.memref_squeeze %dma_wait3A_43 : memref<1x4096xi32, #tpu.memory_space<hbm>> -> memref<4096xi32, #tpu.memory_space<hbm>>
        %dma_wait3A_45 = arith.constant 0 : i32
        %dma_wait3A_46 = tpu.memref_slice %arg2[%scan3A_17, %dma_wait3A_45] : memref<26x4096xi32, #tpu.memory_space<hbm>> -> memref<1x4096xi32, #tpu.memory_space<hbm>>
        %dma_wait3A_47 = tpu.memref_squeeze %dma_wait3A_46 : memref<1x4096xi32, #tpu.memory_space<hbm>> -> memref<4096xi32, #tpu.memory_space<hbm>>
        tpu.wait_dma2 semaphore(%run_scoped3A : memref<!tpu.dma_semaphore, #tpu.memory_space<semaphore_mem>>) src(%dma_wait3A_47 : memref<4096xi32, #tpu.memory_space<hbm>>) dst(%arg5 : memref<4096xi32, #tpu.memory_space<vmem>>)
        tpu.yield
      }) : () -> ()
      %mul3A_18 = arith.constant 2 : i32
      %mul3A_19 = arith.muli %add3A, %mul3A_18 : i32
      %add3A_20 = arith.constant 0 : i32
      %add3A_21 = arith.addi %mul3A_19, %add3A_20 : i32
      "tpu.region"() ({
        %run_scoped3A = tpu.sem_alloc : memref<!tpu.dma_semaphore, #tpu.memory_space<semaphore_mem>>
        %dma_start3A = arith.constant 0 : i32
        %dma_start3A_38 = tpu.memref_slice %arg3[%scan3A_17, %add3A_21, %dma_start3A] : memref<26x64x100000xf32, #tpu.memory_space<hbm>> -> memref<1x1x100000xf32, #tpu.memory_space<hbm>>
        %dma_start3A_39 = tpu.memref_squeeze %dma_start3A_38 : memref<1x1x100000xf32, #tpu.memory_space<hbm>> -> memref<100000xf32, #tpu.memory_space<hbm>>
        %dma_start3A_40 = arith.constant 0 : i32
        %dma_start3A_41 = tpu.memref_slice %arg3[%scan3A_17, %add3A_21, %dma_start3A_40] : memref<26x64x100000xf32, #tpu.memory_space<hbm>> -> memref<1x1x100000xf32, #tpu.memory_space<hbm>>
        %dma_start3A_42 = tpu.memref_squeeze %dma_start3A_41 : memref<1x1x100000xf32, #tpu.memory_space<hbm>> -> memref<100000xf32, #tpu.memory_space<hbm>>
        tpu.enqueue_dma source(%dma_start3A_42 : memref<100000xf32, #tpu.memory_space<hbm>>) target(%arg6 : memref<100000xf32, #tpu.memory_space<vmem>>) target_semaphore(%run_scoped3A : memref<!tpu.dma_semaphore, #tpu.memory_space<semaphore_mem>>)
        %dma_wait3A = arith.constant 0 : i32
        %dma_wait3A_43 = tpu.memref_slice %arg3[%scan3A_17, %add3A_21, %dma_wait3A] : memref<26x64x100000xf32, #tpu.memory_space<hbm>> -> memref<1x1x100000xf32, #tpu.memory_space<hbm>>
        %dma_wait3A_44 = tpu.memref_squeeze %dma_wait3A_43 : memref<1x1x100000xf32, #tpu.memory_space<hbm>> -> memref<100000xf32, #tpu.memory_space<hbm>>
        %dma_wait3A_45 = arith.constant 0 : i32
        %dma_wait3A_46 = tpu.memref_slice %arg3[%scan3A_17, %add3A_21, %dma_wait3A_45] : memref<26x64x100000xf32, #tpu.memory_space<hbm>> -> memref<1x1x100000xf32, #tpu.memory_space<hbm>>
        %dma_wait3A_47 = tpu.memref_squeeze %dma_wait3A_46 : memref<1x1x100000xf32, #tpu.memory_space<hbm>> -> memref<100000xf32, #tpu.memory_space<hbm>>
        tpu.wait_dma2 semaphore(%run_scoped3A : memref<!tpu.dma_semaphore, #tpu.memory_space<semaphore_mem>>) src(%dma_wait3A_47 : memref<100000xf32, #tpu.memory_space<hbm>>) dst(%arg6 : memref<100000xf32, #tpu.memory_space<vmem>>)
        tpu.yield
      }) : () -> ()
      %scan3A_22 = arith.constant 0 : i32
      %scan3A_23 = arith.constant 0 : i32
      %scan3A_24 = arith.constant 32 : i32
      %scan3A_25 = arith.addi %scan3A_23, %scan3A_24 : i32
      %scan3A_26 = arith.constant 1 : i32
      scf.for %scan3A_38 = %scan3A_23 to %scan3A_25 step %scan3A_26  : i32 {
        %mul3A_39 = arith.constant 128 : i32
        %mul3A_40 = arith.muli %scan3A_38, %mul3A_39 : i32
        %multiple_of3A = tpu.assume_multiple %mul3A_40, 128 : i32
        %add3A_41 = arith.constant 0 : i32
        %add3A_42 = arith.addi %multiple_of3A, %add3A_41 : i32
        %get3A = arith.index_cast %add3A_42 : i32 to index
        %get3A_43 = tpu.vector_load %arg5[%get3A] {strides = array<i32>} : memref<4096xi32, #tpu.memory_space<vmem>>, vector<16xi32>,
        %gather3A = tpu.vector_load_idx %arg6[%get3A_43] : memref<100000xf32, #tpu.memory_space<vmem>>[vector<16xi32>], vector<16xf32>,
        %add3A_44 = arith.constant 0 : i32
        %add3A_45 = arith.addi %add3A_44, %add3A_42 : i32
        %swap3A = arith.index_cast %add3A_45 : i32 to index
        %swap3A_46 = tpu.vector_load %arg7[%swap3A] {strides = array<i32>} : memref<8192xf32, #tpu.memory_space<vmem>>, vector<16xf32>,
        tpu.vector_store %arg7[%swap3A], %gather3A {add = true, strides = array<i32>} : memref<8192xf32, #tpu.memory_space<vmem>>, vector<16xf32>,
        %add3A_47 = arith.constant 16 : i32
        %add3A_48 = arith.addi %multiple_of3A, %add3A_47 : i32
        %get3A_49 = arith.index_cast %add3A_48 : i32 to index
        %get3A_50 = tpu.vector_load %arg5[%get3A_49] {strides = array<i32>} : memref<4096xi32, #tpu.memory_space<vmem>>, vector<16xi32>,
        %gather3A_51 = tpu.vector_load_idx %arg6[%get3A_50] : memref<100000xf32, #tpu.memory_space<vmem>>[vector<16xi32>], vector<16xf32>,
        %add3A_52 = arith.constant 0 : i32
        %add3A_53 = arith.addi %add3A_52, %add3A_48 : i32
        %swap3A_54 = arith.index_cast %add3A_53 : i32 to index
        %swap3A_55 = tpu.vector_load %arg7[%swap3A_54] {strides = array<i32>} : memref<8192xf32, #tpu.memory_space<vmem>>, vector<16xf32>,
        tpu.vector_store %arg7[%swap3A_54], %gather3A_51 {add = true, strides = array<i32>} : memref<8192xf32, #tpu.memory_space<vmem>>, vector<16xf32>,
        %add3A_56 = arith.constant 32 : i32
        %add3A_57 = arith.addi %multiple_of3A, %add3A_56 : i32
        %get3A_58 = arith.index_cast %add3A_57 : i32 to index
        %get3A_59 = tpu.vector_load %arg5[%get3A_58] {strides = array<i32>} : memref<4096xi32, #tpu.memory_space<vmem>>, vector<16xi32>,
        %gather3A_60 = tpu.vector_load_idx %arg6[%get3A_59] : memref<100000xf32, #tpu.memory_space<vmem>>[vector<16xi32>], vector<16xf32>,
        %add3A_61 = arith.constant 0 : i32
        %add3A_62 = arith.addi %add3A_61, %add3A_57 : i32
        %swap3A_63 = arith.index_cast %add3A_62 : i32 to index
        %swap3A_64 = tpu.vector_load %arg7[%swap3A_63] {strides = array<i32>} : memref<8192xf32, #tpu.memory_space<vmem>>, vector<16xf32>,
        tpu.vector_store %arg7[%swap3A_63], %gather3A_60 {add = true, strides = array<i32>} : memref<8192xf32, #tpu.memory_space<vmem>>, vector<16xf32>,
        %add3A_65 = arith.constant 48 : i32
        %add3A_66 = arith.addi %multiple_of3A, %add3A_65 : i32
        %get3A_67 = arith.index_cast %add3A_66 : i32 to index
        %get3A_68 = tpu.vector_load %arg5[%get3A_67] {strides = array<i32>} : memref<4096xi32, #tpu.memory_space<vmem>>, vector<16xi32>,
        %gather3A_69 = tpu.vector_load_idx %arg6[%get3A_68] : memref<100000xf32, #tpu.memory_space<vmem>>[vector<16xi32>], vector<16xf32>,
        %add3A_70 = arith.constant 0 : i32
        %add3A_71 = arith.addi %add3A_70, %add3A_66 : i32
        %swap3A_72 = arith.index_cast %add3A_71 : i32 to index
        %swap3A_73 = tpu.vector_load %arg7[%swap3A_72] {strides = array<i32>} : memref<8192xf32, #tpu.memory_space<vmem>>, vector<16xf32>,
        tpu.vector_store %arg7[%swap3A_72], %gather3A_69 {add = true, strides = array<i32>} : memref<8192xf32, #tpu.memory_space<vmem>>, vector<16xf32>,
        %add3A_74 = arith.constant 64 : i32
        %add3A_75 = arith.addi %multiple_of3A, %add3A_74 : i32
        %get3A_76 = arith.index_cast %add3A_75 : i32 to index
        %get3A_77 = tpu.vector_load %arg5[%get3A_76] {strides = array<i32>} : memref<4096xi32, #tpu.memory_space<vmem>>, vector<16xi32>,
        %gather3A_78 = tpu.vector_load_idx %arg6[%get3A_77] : memref<100000xf32, #tpu.memory_space<vmem>>[vector<16xi32>], vector<16xf32>,
        %add3A_79 = arith.constant 0 : i32
        %add3A_80 = arith.addi %add3A_79, %add3A_75 : i32
        %swap3A_81 = arith.index_cast %add3A_80 : i32 to index
        %swap3A_82 = tpu.vector_load %arg7[%swap3A_81] {strides = array<i32>} : memref<8192xf32, #tpu.memory_space<vmem>>, vector<16xf32>,
        tpu.vector_store %arg7[%swap3A_81], %gather3A_78 {add = true, strides = array<i32>} : memref<8192xf32, #tpu.memory_space<vmem>>, vector<16xf32>,
        %add3A_83 = arith.constant 80 : i32
        %add3A_84 = arith.addi %multiple_of3A, %add3A_83 : i32
        %get3A_85 = arith.index_cast %add3A_84 : i32 to index
        %get3A_86 = tpu.vector_load %arg5[%get3A_85] {strides = array<i32>} : memref<4096xi32, #tpu.memory_space<vmem>>, vector<16xi32>,
        %gather3A_87 = tpu.vector_load_idx %arg6[%get3A_86] : memref<100000xf32, #tpu.memory_space<vmem>>[vector<16xi32>], vector<16xf32>,
        %add3A_88 = arith.constant 0 : i32
        %add3A_89 = arith.addi %add3A_88, %add3A_84 : i32
        %swap3A_90 = arith.index_cast %add3A_89 : i32 to index
        %swap3A_91 = tpu.vector_load %arg7[%swap3A_90] {strides = array<i32>} : memref<8192xf32, #tpu.memory_space<vmem>>, vector<16xf32>,
        tpu.vector_store %arg7[%swap3A_90], %gather3A_87 {add = true, strides = array<i32>} : memref<8192xf32, #tpu.memory_space<vmem>>, vector<16xf32>,
        %add3A_92 = arith.constant 96 : i32
        %add3A_93 = arith.addi %multiple_of3A, %add3A_92 : i32
        %get3A_94 = arith.index_cast %add3A_93 : i32 to index
        %get3A_95 = tpu.vector_load %arg5[%get3A_94] {strides = array<i32>} : memref<4096xi32, #tpu.memory_space<vmem>>, vector<16xi32>,
        %gather3A_96 = tpu.vector_load_idx %arg6[%get3A_95] : memref<100000xf32, #tpu.memory_space<vmem>>[vector<16xi32>], vector<16xf32>,
        %add3A_97 = arith.constant 0 : i32
        %add3A_98 = arith.addi %add3A_97, %add3A_93 : i32
        %swap3A_99 = arith.index_cast %add3A_98 : i32 to index
        %swap3A_100 = tpu.vector_load %arg7[%swap3A_99] {strides = array<i32>} : memref<8192xf32, #tpu.memory_space<vmem>>, vector<16xf32>,
        tpu.vector_store %arg7[%swap3A_99], %gather3A_96 {add = true, strides = array<i32>} : memref<8192xf32, #tpu.memory_space<vmem>>, vector<16xf32>,
        %add3A_101 = arith.constant 112 : i32
        %add3A_102 = arith.addi %multiple_of3A, %add3A_101 : i32
        %get3A_103 = arith.index_cast %add3A_102 : i32 to index
        %get3A_104 = tpu.vector_load %arg5[%get3A_103] {strides = array<i32>} : memref<4096xi32, #tpu.memory_space<vmem>>, vector<16xi32>,
        %gather3A_105 = tpu.vector_load_idx %arg6[%get3A_104] : memref<100000xf32, #tpu.memory_space<vmem>>[vector<16xi32>], vector<16xf32>,
        %add3A_106 = arith.constant 0 : i32
        %add3A_107 = arith.addi %add3A_106, %add3A_102 : i32
        %swap3A_108 = arith.index_cast %add3A_107 : i32 to index
        %swap3A_109 = tpu.vector_load %arg7[%swap3A_108] {strides = array<i32>} : memref<8192xf32, #tpu.memory_space<vmem>>, vector<16xf32>,
        tpu.vector_store %arg7[%swap3A_108], %gather3A_105 {add = true, strides = array<i32>} : memref<8192xf32, #tpu.memory_space<vmem>>, vector<16xf32>,
      }
      %scan3A_27 = arith.constant 32 : i32
      %mul3A_28 = arith.constant 2 : i32
      %mul3A_29 = arith.muli %add3A, %mul3A_28 : i32
      %add3A_30 = arith.constant 1 : i32
      %add3A_31 = arith.addi %mul3A_29, %add3A_30 : i32
      "tpu.region"() ({
        %run_scoped3A = tpu.sem_alloc : memref<!tpu.dma_semaphore, #tpu.memory_space<semaphore_mem>>
        %dma_start3A = arith.constant 0 : i32
        %dma_start3A_38 = tpu.memref_slice %arg3[%scan3A_17, %add3A_31, %dma_start3A] : memref<26x64x100000xf32, #tpu.memory_space<hbm>> -> memref<1x1x100000xf32, #tpu.memory_space<hbm>>
        %dma_start3A_39 = tpu.memref_squeeze %dma_start3A_38 : memref<1x1x100000xf32, #tpu.memory_space<hbm>> -> memref<100000xf32, #tpu.memory_space<hbm>>
        %dma_start3A_40 = arith.constant 0 : i32
        %dma_start3A_41 = tpu.memref_slice %arg3[%scan3A_17, %add3A_31, %dma_start3A_40] : memref<26x64x100000xf32, #tpu.memory_space<hbm>> -> memref<1x1x100000xf32, #tpu.memory_space<hbm>>
        %dma_start3A_42 = tpu.memref_squeeze %dma_start3A_41 : memref<1x1x100000xf32, #tpu.memory_space<hbm>> -> memref<100000xf32, #tpu.memory_space<hbm>>
        tpu.enqueue_dma source(%dma_start3A_42 : memref<100000xf32, #tpu.memory_space<hbm>>) target(%arg6 : memref<100000xf32, #tpu.memory_space<vmem>>) target_semaphore(%run_scoped3A : memref<!tpu.dma_semaphore, #tpu.memory_space<semaphore_mem>>)
        %dma_wait3A = arith.constant 0 : i32
        %dma_wait3A_43 = tpu.memref_slice %arg3[%scan3A_17, %add3A_31, %dma_wait3A] : memref<26x64x100000xf32, #tpu.memory_space<hbm>> -> memref<1x1x100000xf32, #tpu.memory_space<hbm>>
        %dma_wait3A_44 = tpu.memref_squeeze %dma_wait3A_43 : memref<1x1x100000xf32, #tpu.memory_space<hbm>> -> memref<100000xf32, #tpu.memory_space<hbm>>
        %dma_wait3A_45 = arith.constant 0 : i32
        %dma_wait3A_46 = tpu.memref_slice %arg3[%scan3A_17, %add3A_31, %dma_wait3A_45] : memref<26x64x100000xf32, #tpu.memory_space<hbm>> -> memref<1x1x100000xf32, #tpu.memory_space<hbm>>
        %dma_wait3A_47 = tpu.memref_squeeze %dma_wait3A_46 : memref<1x1x100000xf32, #tpu.memory_space<hbm>> -> memref<100000xf32, #tpu.memory_space<hbm>>
        tpu.wait_dma2 semaphore(%run_scoped3A : memref<!tpu.dma_semaphore, #tpu.memory_space<semaphore_mem>>) src(%dma_wait3A_47 : memref<100000xf32, #tpu.memory_space<hbm>>) dst(%arg6 : memref<100000xf32, #tpu.memory_space<vmem>>)
        tpu.yield
      }) : () -> ()
      %scan3A_32 = arith.constant 0 : i32
      %scan3A_33 = arith.constant 0 : i32
      %scan3A_34 = arith.constant 32 : i32
      %scan3A_35 = arith.addi %scan3A_33, %scan3A_34 : i32
      %scan3A_36 = arith.constant 1 : i32
      scf.for %scan3A_38 = %scan3A_33 to %scan3A_35 step %scan3A_36  : i32 {
        %mul3A_39 = arith.constant 128 : i32
        %mul3A_40 = arith.muli %scan3A_38, %mul3A_39 : i32
        %multiple_of3A = tpu.assume_multiple %mul3A_40, 128 : i32
        %add3A_41 = arith.constant 0 : i32
        %add3A_42 = arith.addi %multiple_of3A, %add3A_41 : i32
        %get3A = arith.index_cast %add3A_42 : i32 to index
        %get3A_43 = tpu.vector_load %arg5[%get3A] {strides = array<i32>} : memref<4096xi32, #tpu.memory_space<vmem>>, vector<16xi32>,
        %gather3A = tpu.vector_load_idx %arg6[%get3A_43] : memref<100000xf32, #tpu.memory_space<vmem>>[vector<16xi32>], vector<16xf32>,
        %add3A_44 = arith.constant 4096 : i32
        %add3A_45 = arith.addi %add3A_44, %add3A_42 : i32
        %swap3A = arith.index_cast %add3A_45 : i32 to index
        %swap3A_46 = tpu.vector_load %arg7[%swap3A] {strides = array<i32>} : memref<8192xf32, #tpu.memory_space<vmem>>, vector<16xf32>,
        tpu.vector_store %arg7[%swap3A], %gather3A {add = true, strides = array<i32>} : memref<8192xf32, #tpu.memory_space<vmem>>, vector<16xf32>,
        %add3A_47 = arith.constant 16 : i32
        %add3A_48 = arith.addi %multiple_of3A, %add3A_47 : i32
        %get3A_49 = arith.index_cast %add3A_48 : i32 to index
        %get3A_50 = tpu.vector_load %arg5[%get3A_49] {strides = array<i32>} : memref<4096xi32, #tpu.memory_space<vmem>>, vector<16xi32>,
        %gather3A_51 = tpu.vector_load_idx %arg6[%get3A_50] : memref<100000xf32, #tpu.memory_space<vmem>>[vector<16xi32>], vector<16xf32>,
        %add3A_52 = arith.constant 4096 : i32
        %add3A_53 = arith.addi %add3A_52, %add3A_48 : i32
        %swap3A_54 = arith.index_cast %add3A_53 : i32 to index
        %swap3A_55 = tpu.vector_load %arg7[%swap3A_54] {strides = array<i32>} : memref<8192xf32, #tpu.memory_space<vmem>>, vector<16xf32>,
        tpu.vector_store %arg7[%swap3A_54], %gather3A_51 {add = true, strides = array<i32>} : memref<8192xf32, #tpu.memory_space<vmem>>, vector<16xf32>,
        %add3A_56 = arith.constant 32 : i32
        %add3A_57 = arith.addi %multiple_of3A, %add3A_56 : i32
        %get3A_58 = arith.index_cast %add3A_57 : i32 to index
        %get3A_59 = tpu.vector_load %arg5[%get3A_58] {strides = array<i32>} : memref<4096xi32, #tpu.memory_space<vmem>>, vector<16xi32>,
        %gather3A_60 = tpu.vector_load_idx %arg6[%get3A_59] : memref<100000xf32, #tpu.memory_space<vmem>>[vector<16xi32>], vector<16xf32>,
        %add3A_61 = arith.constant 4096 : i32
        %add3A_62 = arith.addi %add3A_61, %add3A_57 : i32
        %swap3A_63 = arith.index_cast %add3A_62 : i32 to index
        %swap3A_64 = tpu.vector_load %arg7[%swap3A_63] {strides = array<i32>} : memref<8192xf32, #tpu.memory_space<vmem>>, vector<16xf32>,
        tpu.vector_store %arg7[%swap3A_63], %gather3A_60 {add = true, strides = array<i32>} : memref<8192xf32, #tpu.memory_space<vmem>>, vector<16xf32>,
        %add3A_65 = arith.constant 48 : i32
        %add3A_66 = arith.addi %multiple_of3A, %add3A_65 : i32
        %get3A_67 = arith.index_cast %add3A_66 : i32 to index
        %get3A_68 = tpu.vector_load %arg5[%get3A_67] {strides = array<i32>} : memref<4096xi32, #tpu.memory_space<vmem>>, vector<16xi32>,
        %gather3A_69 = tpu.vector_load_idx %arg6[%get3A_68] : memref<100000xf32, #tpu.memory_space<vmem>>[vector<16xi32>], vector<16xf32>,
        %add3A_70 = arith.constant 4096 : i32
        %add3A_71 = arith.addi %add3A_70, %add3A_66 : i32
        %swap3A_72 = arith.index_cast %add3A_71 : i32 to index
        %swap3A_73 = tpu.vector_load %arg7[%swap3A_72] {strides = array<i32>} : memref<8192xf32, #tpu.memory_space<vmem>>, vector<16xf32>,
        tpu.vector_store %arg7[%swap3A_72], %gather3A_69 {add = true, strides = array<i32>} : memref<8192xf32, #tpu.memory_space<vmem>>, vector<16xf32>,
        %add3A_74 = arith.constant 64 : i32
        %add3A_75 = arith.addi %multiple_of3A, %add3A_74 : i32
        %get3A_76 = arith.index_cast %add3A_75 : i32 to index
        %get3A_77 = tpu.vector_load %arg5[%get3A_76] {strides = array<i32>} : memref<4096xi32, #tpu.memory_space<vmem>>, vector<16xi32>,
        %gather3A_78 = tpu.vector_load_idx %arg6[%get3A_77] : memref<100000xf32, #tpu.memory_space<vmem>>[vector<16xi32>], vector<16xf32>,
        %add3A_79 = arith.constant 4096 : i32
        %add3A_80 = arith.addi %add3A_79, %add3A_75 : i32
        %swap3A_81 = arith.index_cast %add3A_80 : i32 to index
        %swap3A_82 = tpu.vector_load %arg7[%swap3A_81] {strides = array<i32>} : memref<8192xf32, #tpu.memory_space<vmem>>, vector<16xf32>,
        tpu.vector_store %arg7[%swap3A_81], %gather3A_78 {add = true, strides = array<i32>} : memref<8192xf32, #tpu.memory_space<vmem>>, vector<16xf32>,
        %add3A_83 = arith.constant 80 : i32
        %add3A_84 = arith.addi %multiple_of3A, %add3A_83 : i32
        %get3A_85 = arith.index_cast %add3A_84 : i32 to index
        %get3A_86 = tpu.vector_load %arg5[%get3A_85] {strides = array<i32>} : memref<4096xi32, #tpu.memory_space<vmem>>, vector<16xi32>,
        %gather3A_87 = tpu.vector_load_idx %arg6[%get3A_86] : memref<100000xf32, #tpu.memory_space<vmem>>[vector<16xi32>], vector<16xf32>,
        %add3A_88 = arith.constant 4096 : i32
        %add3A_89 = arith.addi %add3A_88, %add3A_84 : i32
        %swap3A_90 = arith.index_cast %add3A_89 : i32 to index
        %swap3A_91 = tpu.vector_load %arg7[%swap3A_90] {strides = array<i32>} : memref<8192xf32, #tpu.memory_space<vmem>>, vector<16xf32>,
        tpu.vector_store %arg7[%swap3A_90], %gather3A_87 {add = true, strides = array<i32>} : memref<8192xf32, #tpu.memory_space<vmem>>, vector<16xf32>,
        %add3A_92 = arith.constant 96 : i32
        %add3A_93 = arith.addi %multiple_of3A, %add3A_92 : i32
        %get3A_94 = arith.index_cast %add3A_93 : i32 to index
        %get3A_95 = tpu.vector_load %arg5[%get3A_94] {strides = array<i32>} : memref<4096xi32, #tpu.memory_space<vmem>>, vector<16xi32>,
        %gather3A_96 = tpu.vector_load_idx %arg6[%get3A_95] : memref<100000xf32, #tpu.memory_space<vmem>>[vector<16xi32>], vector<16xf32>,
        %add3A_97 = arith.constant 4096 : i32
        %add3A_98 = arith.addi %add3A_97, %add3A_93 : i32
        %swap3A_99 = arith.index_cast %add3A_98 : i32 to index
        %swap3A_100 = tpu.vector_load %arg7[%swap3A_99] {strides = array<i32>} : memref<8192xf32, #tpu.memory_space<vmem>>, vector<16xf32>,
        tpu.vector_store %arg7[%swap3A_99], %gather3A_96 {add = true, strides = array<i32>} : memref<8192xf32, #tpu.memory_space<vmem>>, vector<16xf32>,
        %add3A_101 = arith.constant 112 : i32
        %add3A_102 = arith.addi %multiple_of3A, %add3A_101 : i32
        %get3A_103 = arith.index_cast %add3A_102 : i32 to index
        %get3A_104 = tpu.vector_load %arg5[%get3A_103] {strides = array<i32>} : memref<4096xi32, #tpu.memory_space<vmem>>, vector<16xi32>,
        %gather3A_105 = tpu.vector_load_idx %arg6[%get3A_104] : memref<100000xf32, #tpu.memory_space<vmem>>[vector<16xi32>], vector<16xf32>,
        %add3A_106 = arith.constant 4096 : i32
        %add3A_107 = arith.addi %add3A_106, %add3A_102 : i32
        %swap3A_108 = arith.index_cast %add3A_107 : i32 to index
        %swap3A_109 = tpu.vector_load %arg7[%swap3A_108] {strides = array<i32>} : memref<8192xf32, #tpu.memory_space<vmem>>, vector<16xf32>,
        tpu.vector_store %arg7[%swap3A_108], %gather3A_105 {add = true, strides = array<i32>} : memref<8192xf32, #tpu.memory_space<vmem>>, vector<16xf32>,
      }
      %scan3A_37 = arith.constant 32 : i32
    }
    %scan3A_12 = arith.constant 26 : i32
    %mul3A_13 = arith.constant 2 : i32
    %mul3A_14 = arith.muli %add3A, %mul3A_13 : i32
    %mul3A_15 = arith.constant 4096 : i32
    %mul3A_16 = arith.muli %mul3A_14, %mul3A_15 : i32
    "tpu.region"() ({
      %run_scoped3A = tpu.sem_alloc : memref<!tpu.dma_semaphore, #tpu.memory_space<semaphore_mem>>
      %dma_start3A = tpu.memref_slice %arg4[%mul3A_16] : memref<262144xf32, #tpu.memory_space<hbm>> -> memref<8192xf32, #tpu.memory_space<hbm>>
      %dma_start3A_17 = tpu.memref_slice %arg4[%mul3A_16] : memref<262144xf32, #tpu.memory_space<hbm>> -> memref<8192xf32, #tpu.memory_space<hbm>>
      tpu.enqueue_dma source(%arg7 : memref<8192xf32, #tpu.memory_space<vmem>>) target(%dma_start3A_17 : memref<8192xf32, #tpu.memory_space<hbm>>) target_semaphore(%run_scoped3A : memref<!tpu.dma_semaphore, #tpu.memory_space<semaphore_mem>>)
      %dma_wait3A = tpu.memref_slice %arg4[%mul3A_16] : memref<262144xf32, #tpu.memory_space<hbm>> -> memref<8192xf32, #tpu.memory_space<hbm>>
      %dma_wait3A_18 = tpu.memref_slice %arg4[%mul3A_16] : memref<262144xf32, #tpu.memory_space<hbm>> -> memref<8192xf32, #tpu.memory_space<hbm>>
      tpu.wait_dma2 semaphore(%run_scoped3A : memref<!tpu.dma_semaphore, #tpu.memory_space<semaphore_mem>>) src(%arg7 : memref<8192xf32, #tpu.memory_space<vmem>>) dst(%dma_wait3A_18 : memref<8192xf32, #tpu.memory_space<hbm>>)
      tpu.yield
    }) : () -> ()
    return
  }
}

module attributes {stable_mosaic.version = 14 : i64} {
  func.func @body(%arg0: memref<64x4096xf32, #tpu.memory_space<vmem>>, %arg1: memref<32x64xf32, #tpu.memory_space<vmem>>, %arg2: memref<1x32xf32, #tpu.memory_space<vmem>>, %arg3: memref<128x32xf32, #tpu.memory_space<vmem>>, %arg4: memref<1xf32, #tpu.memory_space<smem>>, %arg5: memref<128x4096xf32, #tpu.memory_space<vmem>>) attributes {dimension_semantics = [], scalar_prefetch = 0 : i64, scratch_operands = 0 : i64, tpu.core_type = #tpu.core_type<tc>} {
    %get3A = arith.constant 0 : index
    %get3A_0 = arith.constant 0 : index
    %get3A_1 = vector.load %arg3[%get3A, %get3A_0] : memref<128x32xf32, #tpu.memory_space<vmem>>, vector<128x32xf32>
    %get3A_2 = arith.constant 0 : index
    %get3A_3 = arith.constant 0 : index
    %get3A_4 = vector.load %arg1[%get3A_2, %get3A_3] : memref<32x64xf32, #tpu.memory_space<vmem>>, vector<32x64xf32>
    %dot_general3A = arith.constant dense<0.000000e+00> : vector<128x64xf32>
    %dot_general3A_5 = tpu.matmul %get3A_1, %get3A_4, %dot_general3A {dimension_numbers = #tpu.dot_dimension_numbers<[1], [0], [0], [1], [0, 0, 1, 1], [], []>, transpose_lhs_hint = false} : vector<128x32xf32>, vector<32x64xf32>, vector<128x64xf32> -> vector<128x64xf32>
    %get3A_6 = arith.constant 0 : index
    %get3A_7 = arith.constant 0 : index
    %get3A_8 = vector.load %arg0[%get3A_6, %get3A_7] : memref<64x4096xf32, #tpu.memory_space<vmem>>, vector<64x4096xf32>
    %dot_general3A_9 = arith.constant dense<0.000000e+00> : vector<128x4096xf32>
    %dot_general3A_10 = tpu.matmul %dot_general3A_5, %get3A_8, %dot_general3A_9 {dimension_numbers = #tpu.dot_dimension_numbers<[1], [0], [0], [1], [0, 0, 1, 1], [], []>, transpose_lhs_hint = false} : vector<128x64xf32>, vector<64x4096xf32>, vector<128x4096xf32> -> vector<128x4096xf32>
    %get3A_11 = arith.constant 0 : index
    %get3A_12 = arith.constant 0 : index
    %get3A_13 = vector.load %arg3[%get3A_11, %get3A_12] : memref<128x32xf32, #tpu.memory_space<vmem>>, vector<128x32xf32>
    %slice3A = vector.extract_strided_slice %get3A_13 {offsets = [0, 0], sizes = [1, 32], strides = [1, 1]} : vector<128x32xf32> to vector<1x32xf32>
    %get3A_14 = arith.constant 0 : index
    %get3A_15 = arith.constant 0 : index
    %get3A_16 = vector.load %arg2[%get3A_14, %get3A_15] : memref<1x32xf32, #tpu.memory_space<vmem>>, vector<1x32xf32>
    %mul3A = arith.mulf %slice3A, %get3A_16 : vector<1x32xf32>
    %reduce_sum3A = vector.shape_cast %mul3A : vector<1x32xf32> to vector<1x1x32xf32>
    %reduce_sum3A_17 = arith.constant dense<0.000000e+00> : vector<1xf32>
    %reduce_sum3A_18 = vector.multi_reduction <add>, %reduce_sum3A, %reduce_sum3A_17 [1, 2] : vector<1x1x32xf32> to vector<1xf32>
    %reduce_sum3A_19 = vector.shape_cast %reduce_sum3A_18 : vector<1xf32> to vector<1x1x1xf32>
    %reduce_sum3A_20 = vector.extract %reduce_sum3A_19[0, 0, 0] : f32 from vector<1x1x1xf32>
    %get3A_21 = arith.constant 0 : index
    %get3A_22 = memref.load %arg4[%get3A_21] : memref<1xf32, #tpu.memory_space<smem>>
    %add3A = arith.addf %reduce_sum3A_20, %get3A_22 : f32
    %mul3A_23 = arith.constant 2.600000e+01 : f32
    %mul3A_24 = arith.mulf %mul3A_23, %add3A : f32
    %add3A_25 = vector.broadcast %mul3A_24 : f32 to vector<128x4096xf32>
    %add3A_26 = arith.addf %dot_general3A_10, %add3A_25 : vector<128x4096xf32>
    %swap3A = arith.constant 0 : index
    %swap3A_27 = arith.constant 0 : index
    %swap3A_28 = vector.load %arg5[%swap3A, %swap3A_27] : memref<128x4096xf32, #tpu.memory_space<vmem>>, vector<128x4096xf32>
    tpu.vector_store %arg5[%swap3A, %swap3A_27], %add3A_26 {strides = array<i32>} : memref<128x4096xf32, #tpu.memory_space<vmem>>, vector<128x4096xf32>,
    return
  }
}

</mosaic_0001>

<sc_bundles>
// kernel: sc_gather_sum_t.3.cloned.1.call-start
scs
__scs_entry_jumppad:
0x0: {  	(pc) =	sbr.rel $0x88, $3  }
0x1: {  	(tag) =	ssettag $0x0;
	lr =	simm.s32 $0x1  }
0x2: {  	[smem:$0x3F9B] =	sst lr;
	_ =	strace $0xD0000000  }
0x3: {  	_ = 	snop  }
0x4: {  	_ = 	snop  }
0x5: {  	_ = 	snop  }
0x6: {  	_ = 	snop  }
0x7: {  	_ = 	snop  }
__scs_overlays_trampoline_lowered:
0x8: {  	[smem:$0x3FAA] =	sst s0  }
0x9: {  	[smem:$0x3FAB] =	sst s1  }
0xa: {  	[smem:$0x3FAC] =	sst s2  }
0xb: {  	[smem:$0x3FAD] =	sst s3  }
0xc: {  	[smem:$0x3FAE] =	sst s4  }
0xd: {  	[smem:$0x3FAF] =	sst s5  }
0xe: {  	[smem:$0x3FB0] =	sst s6  }
0xf: {  	[smem:$0x3FB1] =	sst s7  }
0x10: {  	[smem:$0x3FB2] =	sst s8  }
0x11: {  	[smem:$0x3FB3] =	sst s9;
	s0 =	simm.s32 @!p0 $0x0  }
0x12: {  	s1 =	sld [smem:$0x3F99];
	s0 =	simm.s32 @p0 $0x1  }
0x13: {  	[smem:$0x3FB4] =	sst s0;
	s0 =	simm.s32 @!p1 $0x0  }
0x14: {  	s2 =	sld [smem:$0x3F98];
	s0 =	simm.s32 @p1 $0x1  }
0x15: {  	[smem:$0x3FB5] =	sst s0;
	s0 =	simm.s32 @!p2 $0x0  }
0x16: {  	s3 =	sld [smem:$0x3FDB];
	s0 =	simm.s32 @p2 $0x1  }
0x17: {  	s4 =	simm.s32 $0x1BF5;
	[smem:$0x3FB7] =	sst s0  }
0x18: {  	s0 =	sld [smem:$0x3F9A];
	_ =	swait.ge [sflag:s4], $0x0  }
0x19: {  	s7 =	sld [smem:$0x3F9B]  }
0x1a: {  	s8 =	sadd.s32 $0xFFFFE003, lr  }
0x1b: {  	s9 =	sadd.s32 $0xFFFFFEF7, lr;
	s5 =	simm.s32 $0xFFFFFFFF;
	p2 =	slt.u32 s8, $0xFFFFF086  }
0x1c: {  	p1 =	slt.u32 s9, $0xF7A;
	s5 =	simm.s32 @!p2 $0x0  }
0x1d: {  	s5 =	simm.s32 @p1 $0x1;
	p0 =	seq.s32 s7, s2  }
0x1e: {  	s7 =	smul.u32 @!p0 $0xF7A, s2;
	p2 =	seq.s32 @!p0 s5, $0x0  }
0x1f: {  	s9 =	smul.u32 $0xF7A, s1;
	s8 =	simm.s32 @!p0 $0x1BF5;
	p2 =	por !p2, p0  }
0x20: {  	[sflag:s8] =	ssyncset.s32 @!p0 $0xFFFFF086;
	s6 =	sadd.s32 @!p0 s3, s7;
	s7 =	simm.s32 @!p0 $0x108  }
0x21: {  	s3 =	sadd.s32 s3, s9;
	s6 =	sadd.s32 @!p0 $0x88, s6;
	s7 =	simm.s32 @p2 $0x1082  }
0x22: {  	[simem:s7], [sflag:s8] =	dma.local @!p0 [hbm:s6], $0xF7A  }
0x23: {  	s9 =	sor.u32 $0xD0000000, s2;
	s6 =	simm.s32 $0x108;
	_ =	swait.ge @!p0 [sflag:s8], $0x0  }
0x24: {  	s3 =	sadd.s32 $0x88, s3;
	s6 =	simm.s32 @!p1 $0x1082;
	[sflag:s4] =	ssyncset.s32 $0xFFFFF086  }
0x25: {  	[simem:s6], [sflag:s4] =	dma.local [hbm:s3], $0xF7A  }
0x26: {  	[smem:$0x3F9B] =	sst s1;
	(tag) =	ssettag s2;
	_ =	strace s9  }
0x27: {  	s1 =	sld [smem:$0x3FAB]  }
0x28: {  	s2 =	sld [smem:$0x3FAC]  }
0x29: {  	s4 =	sld [smem:$0x3FAE]  }
0x2a: {  	p0 =	seq.s32 s5, $0x0;
	s5 =	sld [smem:$0x3FAF]  }
0x2b: {  	s6 =	sld [smem:$0x3FB0]  }
0x2c: {  	s7 =	sld [smem:$0x3FB1]  }
0x2d: {  	s3 =	simm.s32 $0x108;
	s8 =	sld [smem:$0x3FB2]  }
0x2e: {  	s3 =	simm.s32 @!p0 $0x1082;
	s9 =	sld [smem:$0x3FB3]  }
0x2f: {  	lr =	sadd.s32 s0, s3;
	s0 =	sld [smem:$0x3FAA]  }
0x30: {  	s3 =	sld [smem:$0x3FAD]  }
0x31: {  	[smem:$0x3FB6] =	sst s10  }
0x32: {  	s10 =	sld [smem:$0x3FB4];
	_ =	sdelay $0x3  }
0x33: {  	p0 =	seq.s32 s10, $0x1;
	s10 =	sld [smem:$0x3FB6];
	_ =	sdelay $0x3  }
0x34: {  	[smem:$0x3FB6] =	sst s10  }
0x35: {  	s10 =	sld [smem:$0x3FB5];
	_ =	sdelay $0x3  }
0x36: {  	p1 =	seq.s32 s10, $0x1;
	s10 =	sld [smem:$0x3FB6];
	_ =	sdelay $0x3  }
0x37: {  	[smem:$0x3FB6] =	sst s10  }
0x38: {  	s10 =	sld [smem:$0x3FB7]  }
0x39: {  	_ = 	snop;
	(pc) =	sbr.ind lr, $3  }
0x3a: {  	_ = 	snop  }
0x3b: {  	_ = 	snop  }
0x3c: {  	p2 =	seq.s32 s10, $0x1;
	s10 =	sld [smem:$0x3FB6]  }
0x3d: {  	_ =	shalt  }
0x3e: {  	_ =	shalt  }
0x3f: {  	_ =	shalt  }
0x40: {  	_ =	shalt  }
0x41: {  	_ =	shalt  }
0x42: {  	_ =	shalt  }
0x43: {  	_ =	shalt  }
0x44: {  	_ =	shalt  }
0x45: {  	_ =	shalt  }
0x46: {  	_ =	shalt  }
0x47: {  	_ =	shalt  }
0x48: {  	_ =	shalt  }
0x49: {  	_ =	shalt  }
0x4a: {  	_ =	shalt  }
0x4b: {  	_ =	shalt  }
0x4c: {  	_ =	shalt  }
0x4d: {  	_ =	shalt  }
0x4e: {  	_ =	shalt  }
0x4f: {  	_ =	shalt  }
0x50: {  	_ =	shalt  }
0x51: {  	_ =	shalt  }
0x52: {  	_ =	shalt  }
0x53: {  	_ =	shalt  }
0x54: {  	_ =	shalt  }
0x55: {  	_ =	shalt  }
0x56: {  	_ =	shalt  }
0x57: {  	_ =	shalt  }
0x58: {  	_ =	shalt  }
0x59: {  	_ =	shalt  }
0x5a: {  	_ =	shalt  }
0x5b: {  	_ =	shalt  }
0x5c: {  	_ =	shalt  }
0x5d: {  	_ =	shalt  }
0x5e: {  	_ =	shalt  }
0x5f: {  	_ =	shalt  }
0x60: {  	_ =	shalt  }
0x61: {  	_ =	shalt  }
0x62: {  	_ =	shalt  }
0x63: {  	_ =	shalt  }
0x64: {  	_ =	shalt  }
0x65: {  	_ =	shalt  }
0x66: {  	_ =	shalt  }
0x67: {  	_ =	shalt  }
0x68: {  	_ =	shalt  }
0x69: {  	_ =	shalt  }
0x6a: {  	_ =	shalt  }
0x6b: {  	_ =	shalt  }
0x6c: {  	_ =	shalt  }
0x6d: {  	_ =	shalt  }
0x6e: {  	_ =	shalt  }
0x6f: {  	_ =	shalt  }
0x70: {  	_ =	shalt  }
0x71: {  	_ =	shalt  }
0x72: {  	_ =	shalt  }
0x73: {  	_ =	shalt  }
0x74: {  	_ =	shalt  }
0x75: {  	_ =	shalt  }
0x76: {  	_ =	shalt  }
0x77: {  	_ =	shalt  }
0x78: {  	_ =	shalt  }
0x79: {  	_ =	shalt  }
0x7a: {  	_ =	shalt  }
0x7b: {  	_ =	shalt  }
0x7c: {  	_ =	shalt  }
0x7d: {  	_ =	shalt  }
0x7e: {  	_ =	shalt  }
0x7f: {  	_ =	shalt  }
0x80: {  	_ =	shalt  }
0x81: {  	_ =	shalt  }
0x82: {  	_ =	shalt  }
0x83: {  	_ =	shalt  }
0x84: {  	_ =	shalt  }
0x85: {  	_ =	shalt  }
0x86: {  	_ =	shalt  }
0x87: {  	_ =	shalt  }
.Lfunc_end0:
.L_simem_size_0:
called_computation_lowered:
.L_overlay_start_0:
0x88: {  	s2 =	sld [smem:$0x3FD9]  }
0x89: {  	s3 =	sld [smem:$0x3FFE];
	_ =	sdelay $0x1  }
0x8a: {  	s1 =	srdreg.scid  }
0x8b: {  	s0 =	sand.u32 $0x1, s1  }
0x8c: {  	s17 =	sshll.u32 s0, $0xA;
	s2 =	sadd.s32 s3, s2  }
0x8d: {  	s2 =	sadd.s32 s2, s17  }
0x8e: {  	[smem:$0x3FC2] =	sst s2  }
0x8f: {  	_ = 	snop  }
0x90: {  	s2 =	sld [smem:$0x3FC9]  }
0x91: {  	s18 =	sld [smem:$0x3FC8];
	(tm) =	ssettm $0x1  }
0x92: {  	s4 =	sld [smem:$0x3FFB];
	_ =	sdelay $0x3  }
0x93: {  	_ =	strace s4  }
0x94: {  	s4 =	sld [smem:$0x3FFC];
	_ =	sdelay $0x3  }
0x95: {  	_ =	strace s4  }
0x96: {  	s4 =	sld [smem:$0x3FFD];
	_ =	sdelay $0x3  }
0x97: {  	_ =	strace s4  }
0x98: {  	_ =	strace $0x8FFFFFFF  }
0x99: {  	s19 =	sld [smem:$0x3FDB];
	_ =	sdelay $0x1  }
0x9a: {  	s5 =	simm.s32 $_scs_section_size  }
0x9b: {  	s6 =	simm.s32 $_size__tile_overlayer_lowered;
	s7 =	simm.s32 $_tile_overlayer_lowered  }
0x9c: {  	s22 =	simm.s32 $0x1BFF;
	s21 =	sshll.u32 s7, $0x1;
	s4 =	sadd.s32 s5, s19  }
0x9d: {  	s8 =	simm.s32 $0x0;
	s20 =	sshll.u32 s6, $0x1;
	s6 =	sadd.s32 s21, s4  }
0x9e: {  	[timem:s8], [sflag:s22] =	dma.local [hbm:s6], s20  }
0x9f: {  	_ =	swait.ge [sflag:s22], s20  }
0xa0: {  	s5 =	ssub.s32 $0x0, s20;
	[sflag:s22] =	ssyncset.done $0x0  }
0xa1: {  	[sflag:s22] =	ssyncadd.s32 s5;
	_ =	sdelay $0x1  }
0xa2: {  	s23 =	simm.s32 $0x1B8B  }
0xa3: {  	_ =	swait.ge [sflag:s23], $0x1  }
0xa4: {  	[sflag:s23] =	ssyncset.done $0x0  }
0xa5: {  	s25 =	simm.s32 $0x1B8E;
	s24 =	sld [smem:$0x3FFE];
	[sflag:s23] =	ssyncadd.s32 $0xFFFFFFFF  }
0xa6: {  	s26 =	simm.s32 $execute0_lowered;
	[smem:$0x3FD2] =	sst s25  }
0xa7: {  	s6 =	sshll.u32 s26, $0x1;
	_ =	strace $0x80000046;
	[dreg:$0x1] =	wrdreg $0xFFFFFFFF  }
0xa8: {  	s28 =	simm.s32 $_size_execute0_lowered;
	s4 =	sadd.s32 s4, s6;
	[dreg:$0x0] =	wrdreg $0x0  }
0xa9: {  	s6 =	sshll.u32 s28, $0x1;
	[dreg:$0x2] =	wrdreg s4  }
0xaa: {  	[dreg:$0x3] =	wrdreg s6  }
0xab: {  	[dreg:$0x4] =	wrdreg $0xC0  }
0xac: {  	_ =	task [dreg:s8], $0x5FFFF  }
0xad: {  	[dreg:$0x1] =	wrdreg $0xFFFFFFFF  }
0xae: {  	[dreg:$0x0] =	wrdreg $0x60  }
0xaf: {  	[dreg:$0x2] =	wrdreg s2  }
0xb0: {  	[dreg:$0x3] =	wrdreg s18  }
0xb1: {  	[dreg:$0x4] =	wrdreg s24  }
0xb2: {  	[dreg:$0x5] =	wrdreg $0x9  }
0xb3: {  	_ =	task.clear_ibuf [dreg:s8], $0x6FFFF;
	_ =	strace $0x90000046  }
0xb4: {  	s29 =	simm.s32 $0x9;
	_ =	strace $0x80000048  }
0xb5: {  	_ =	swait.ge [sflag:s29], $0x1  }
0xb6: {  	[sflag:s29] =	ssyncadd.s32 $0xFFFFFFFF  }
0xb7: {  	_ =	strace $0x90000048  }
0xb8: {  	_ =	sfence  }
0xb9: {  	s30 =	sld [smem:$0x0];
	_ =	sdelay $0x2  }
0xba: {  	s31 =	sshll.u32 s1, $0xD;
	s1 =	sshrl.u32 s1, $0x2  }
0xbb: {  	s3 =	sand.u32 $0x4000, s31;
	s1 =	sadd.s32 s1, s30  }
0xbc: {  	s0 =	sor.u32 s3, s0;
	s1 =	sshll.u32 s1, $0x11  }
0xbd: {  	s0 =	sor.u32 s1, s0  }
0xbe: {  	s0 =	sadd.s32 $0x8F2B, s0  }
0xbf: {  	[sflag:s0] =	ssyncadd.remote.s32 $0x1  }
0xc0: {  	_ =	sfence.sel $0xFFFF  }
0xc1: {  	[dreg:$0x0] =	wrdreg $0xFFFFFFFF;
	(pc) =	sbr.abs _section_cstart, $3  }
0xc2: {  	[dreg:$0x1] =	wrdreg $0xFFFFFFFF  }
0xc3: {  	_ =	task.clear_ibuf [dreg:s8], $0x2FFFF;
	_ =	strace $0x9FFFFFFF  }
0xc4: {  	(tm) =	ssettm $0x7FFFFFFF  }
0xc5: {  	_ =	shalt  }
tec
execute0_lowered:
.L_overlay_start_1:
0x0: {  	(tag) =	ssettag $0x1  }
0x1: {  	s1 =	rddreg [dreg:$0x0]  }
0x2: {  	s3 =	rddreg [dreg:$0x1];
	s2 =	srdreg.scid  }
0x3: {  	s0 =	stileid.u32;
	s5 =	rddreg [dreg:$0x2];
	s4 =	simm.s32 $0x0  }
0x4: {  	s11 =	simm.s32 $0x400;
	s12 =	simm.s32 $0x1;
	s13 =	simm.s32 $0x1000  }
0x5: {  	s14 =	simm.s32 $0x19700;
	s6 =	sand.u32 $0x1, s2;
	s2 =	rddreg [dreg:$0x3]  }
0x6: {  	s15 =	simm.s32 $0x0;
	s7 =	sshll.u32 s0, $0x1;
	[smem:$0x7FF] =	sst s4  }
0x7: {  	s9 =	sshrl.u32 s0, $0x1;
	s7 =	sor.u32 s6, s7;
	s31 =	ssub.s32 $0x2, s6  }
0x8: {  	s8 =	sshll.u32 s7, $0xA;
	s6 =	sshrl.u32 s31, $0x1;
	s7 =	sshll.u32 s7, $0x8  }
0x9: {  	_ =	strace $0x80000047;
	s10 =	ssub.s32 s31, s6;
	s6 =	sand.u32 $0x300, s7  }
0xa: {  	s8 =	sadd.s32 s8, s5;
	s5 =	smul.u32 $0xC3800, s9;
	s7 =	sor.u32 $0x80, s6  }
0xb: {  	v0 =	vimm.f32 $0.0e+00;
	s8 =	sadd.s32 $0xA00, s8;
	s9 =	smax.u32 s10, $0x1;
	s10 =	simm.s32 $0x80  }
.LBB2_1:
0xc: {  	s16 =	simm.s32 $0x40;
	s17 =	simm.s32 $0x0  }
.LBB2_2:
0xd: {  	p0 =	sne.s32 s16, $0x7FC0;
	[tilespmem:s17+$0x19700] =	vst v0;
	s17 =	smov.u32 s16;
	s16 =	sadd.s32 $0x40, s16  }
.Ltmp0:
0xe: {  	(pc) =	sbr.rel @p0 .LBB2_2-.Ltmp0, $2  }
0xf: {  	_ =	sdelay $0x2  }
0x10: {  	s17 =	sshra.s32 s17, $0x2  }
0x11: {  	[tilespmem:s17+$0x19700] =	vst v0;
	s16 =	simm.s32 $0x0;
	s17 =	simm.s32 $0x0  }
.LBB2_4:
0x12: {  	s18 =	sshll.u32 s17, $0x4  }
0x13: {  	s19 =	sshll.u32 s17, $0x9;
	s18 =	sand.u32 $0x70, s18  }
0x14: {  	s19 =	sand.u32 $0x3000, s19;
	s18 =	sadd.s32 s1, s18  }
0x15: {  	s31 =	smul.u32 $0x61C000, s17;
	s18 =	sadd.s32 s19, s18  }
0x16: {  	[tilespmem:s16], [sflag:$0x1] =	stream.strided.gather [hbm4b:s18+s10], $0x1000, s11, s10, $0x38;
	[tilespmem:$0x1B700] =	vst v63  }
0x17: {  	s18 =	sadd.s32 s5, s31  }
0x18: {  	_ =	swait.ge [sflag:s12], $0x1000;
	s19 =	sor.u32 s6, s18  }
0x19: {  	[sflag:s12] =	ssyncset.done $0x0;
	s19 =	sshrl.u32 s19, $0x3  }
0x1a: {  	[sflag:s12] =	ssyncadd.s32 $0xFFFFF000;
	s19 =	sadd.s32 s3, s19  }
0x1b: {  	[tilespmem:s13], [sflag:$0x1] =	stream.strided.gather [hbm4b:s19+s10], $0x18700, s11, s10, $0x38;
	[tilespmem:$0x1B700] =	vst v63  }
0x1c: {  	_ =	swait.ge [sflag:s12], $0x18700  }
0x1d: {  	[sflag:s12] =	ssyncset.done $0x0  }
0x1e: {  	s19 =	simm.s32 $0x0;
	[sflag:s12] =	ssyncadd.s32 $0xFFFE7900  }
0x1f: {  	v1 =	vld [tilespmem:s19+$0x0];
	_ =	sdelay $0x5  }
0x20: {  	v2 =	vld [tilespmem:s19+$0x10];
	_ =	sdelay $0x1  }
0x21: {  	v1 =	vld.idx.msk [tilespmem:v1+s13+$0x0], $0xffff;
	_ =	sdelay $0x3  }
0x22: {  	v3 =	vld [tilespmem:s19+$0x20]  }
0x23: {  	[tilespmem:s19+$0x19700] =	vst.add.f32.msk $0xffff, v1  }
0x24: {  	v1 =	vld.idx.msk [tilespmem:v2+s13+$0x0], $0xffff;
	_ =	sdelay $0x3  }
0x25: {  	v2 =	vld [tilespmem:s19+$0x30]  }
0x26: {  	[tilespmem:s19+$0x19710] =	vst.add.f32.msk $0xffff, v1  }
0x27: {  	v1 =	vld.idx.msk [tilespmem:v3+s13+$0x0], $0xffff;
	_ =	sdelay $0x3  }
0x28: {  	v3 =	vld [tilespmem:s19+$0x40]  }
0x29: {  	[tilespmem:s19+$0x19720] =	vst.add.f32.msk $0xffff, v1  }
0x2a: {  	v1 =	vld.idx.msk [tilespmem:v2+s13+$0x0], $0xffff;
	_ =	sdelay $0x3  }
0x2b: {  	v2 =	vld [tilespmem:s19+$0x50]  }
0x2c: {  	[tilespmem:s19+$0x19730] =	vst.add.f32.msk $0xffff, v1  }
0x2d: {  	v1 =	vld.idx.msk [tilespmem:v3+s13+$0x0], $0xffff;
	_ =	sdelay $0x3  }
0x2e: {  	v3 =	vld [tilespmem:s19+$0x60]  }
0x2f: {  	[tilespmem:s19+$0x19740] =	vst.add.f32.msk $0xffff, v1  }
0x30: {  	v2 =	vld.idx.msk [tilespmem:v2+s13+$0x0], $0xffff;
	_ =	sdelay $0x3  }
0x31: {  	v1 =	vld [tilespmem:s19+$0x70]  }
0x32: {  	[tilespmem:s19+$0x19750] =	vst.add.f32.msk $0xffff, v2  }
0x33: {  	v3 =	vld.idx.msk [tilespmem:v3+s13+$0x0], $0xffff;
	_ =	sdelay $0x2  }
0x34: {  	s21 =	simm.s32 $0x80  }
0x35: {  	s20 =	simm.s32 $0x400;
	v2 =	vld [tilespmem:s21+$0x0]  }
.LBB2_5:
0x36: {  	p0 =	sne.s32 s20, $0x3E00;
	[tilespmem:s19+$0x19760] =	vst.add.f32.msk $0xffff, v3  }
0x37: {  	v1 =	vld.idx.msk [tilespmem:v1+s13+$0x0], $0xffff;
	_ =	sdelay $0x4  }
0x38: {  	v3 =	vld [tilespmem:s21+$0x10]  }
0x39: {  	[tilespmem:s19+$0x19770] =	vst.add.f32.msk $0xffff, v1;
	s19 =	smov.u32 s21  }
0x3a: {  	v1 =	vld.idx.msk [tilespmem:v2+s13+$0x0], $0xffff;
	_ =	sdelay $0x4  }
0x3b: {  	v2 =	vld [tilespmem:s19+$0x20]  }
0x3c: {  	[tilespmem:s19+$0x19700] =	vst.add.f32.msk $0xffff, v1  }
0x3d: {  	v1 =	vld.idx.msk [tilespmem:v3+s13+$0x0], $0xffff;
	_ =	sdelay $0x4  }
0x3e: {  	v3 =	vld [tilespmem:s19+$0x30]  }
0x3f: {  	[tilespmem:s19+$0x19710] =	vst.add.f32.msk $0xffff, v1  }
0x40: {  	v1 =	vld.idx.msk [tilespmem:v2+s13+$0x0], $0xffff;
	_ =	sdelay $0x4  }
0x41: {  	v2 =	vld [tilespmem:s19+$0x40]  }
0x42: {  	[tilespmem:s19+$0x19720] =	vst.add.f32.msk $0xffff, v1  }
0x43: {  	v1 =	vld.idx.msk [tilespmem:v3+s13+$0x0], $0xffff;
	_ =	sdelay $0x4  }
0x44: {  	v3 =	vld [tilespmem:s19+$0x50]  }
0x45: {  	[tilespmem:s19+$0x19730] =	vst.add.f32.msk $0xffff, v1  }
0x46: {  	v1 =	vld.idx.msk [tilespmem:v2+s13+$0x0], $0xffff;
	_ =	sdelay $0x4  }
0x47: {  	v2 =	vld [tilespmem:s19+$0x60]  }
0x48: {  	[tilespmem:s19+$0x19740] =	vst.add.f32.msk $0xffff, v1  }
0x49: {  	v3 =	vld.idx.msk [tilespmem:v3+s13+$0x0], $0xffff;
	_ =	sdelay $0x4  }
0x4a: {  	v1 =	vld [tilespmem:s19+$0x70]  }
0x4b: {  	[tilespmem:s19+$0x19750] =	vst.add.f32.msk $0xffff, v3  }
0x4c: {  	v3 =	vld.idx.msk [tilespmem:v2+s13+$0x0], $0xffff  }
.Ltmp1:
0x4d: {  	(pc) =	sbr.rel @p0 .LBB2_5-.Ltmp1, $3  }
0x4e: {  	_ =	sdelay $0x1  }
0x4f: {  	s21 =	sshra.s32 s20, $0x2  }
0x50: {  	s20 =	sadd.s32 $0x200, s20;
	v2 =	vld [tilespmem:s21+$0x0]  }
0x51: {  	_ =	sdelay $0x2  }
0x52: {  	[tilespmem:s19+$0x19760] =	vst.add.f32.msk $0xffff, v3  }
0x53: {  	v1 =	vld.idx.msk [tilespmem:v1+s13+$0x0], $0xffff;
	_ =	sdelay $0x3  }
0x54: {  	v3 =	vld [tilespmem:s21+$0x10]  }
0x55: {  	[tilespmem:s19+$0x19770] =	vst.add.f32.msk $0xffff, v1  }
0x56: {  	v1 =	vld.idx.msk [tilespmem:v2+s13+$0x0], $0xffff;
	_ =	sdelay $0x3  }
0x57: {  	v2 =	vld [tilespmem:s21+$0x20]  }
0x58: {  	[tilespmem:s21+$0x19700] =	vst.add.f32.msk $0xffff, v1  }
0x59: {  	v1 =	vld.idx.msk [tilespmem:v3+s13+$0x0], $0xffff;
	_ =	sdelay $0x3  }
0x5a: {  	v3 =	vld [tilespmem:s21+$0x30]  }
0x5b: {  	[tilespmem:s21+$0x19710] =	vst.add.f32.msk $0xffff, v1  }
0x5c: {  	v1 =	vld.idx.msk [tilespmem:v2+s13+$0x0], $0xffff;
	_ =	sdelay $0x3  }
0x5d: {  	v2 =	vld [tilespmem:s21+$0x40]  }
0x5e: {  	[tilespmem:s21+$0x19720] =	vst.add.f32.msk $0xffff, v1  }
0x5f: {  	v1 =	vld.idx.msk [tilespmem:v3+s13+$0x0], $0xffff;
	_ =	sdelay $0x3  }
0x60: {  	v3 =	vld [tilespmem:s21+$0x50]  }
0x61: {  	[tilespmem:s21+$0x19730] =	vst.add.f32.msk $0xffff, v1  }
0x62: {  	v1 =	vld.idx.msk [tilespmem:v2+s13+$0x0], $0xffff;
	_ =	sdelay $0x3  }
0x63: {  	v2 =	vld [tilespmem:s21+$0x60]  }
0x64: {  	[tilespmem:s21+$0x19740] =	vst.add.f32.msk $0xffff, v1  }
0x65: {  	v1 =	vld.idx.msk [tilespmem:v3+s13+$0x0], $0xffff;
	_ =	sdelay $0x3  }
0x66: {  	v3 =	vld [tilespmem:s21+$0x70]  }
0x67: {  	[tilespmem:s21+$0x19750] =	vst.add.f32.msk $0xffff, v1  }
0x68: {  	v1 =	vld.idx.msk [tilespmem:v2+s13+$0x0], $0xffff;
	_ =	sdelay $0x4  }
0x69: {  	[tilespmem:s21+$0x19760] =	vst.add.f32.msk $0xffff, v1  }
0x6a: {  	v1 =	vld.idx.msk [tilespmem:v3+s13+$0x0], $0xffff;
	_ =	sdelay $0x2  }
0x6b: {  	s18 =	sor.u32 s7, s18  }
0x6c: {  	s18 =	sshrl.u32 s18, $0x3  }
0x6d: {  	s18 =	sadd.s32 s3, s18;
	[tilespmem:s21+$0x19770] =	vst.add.f32.msk $0xffff, v1  }
0x6e: {  	[tilespmem:s13], [sflag:$0x1] =	stream.strided.gather [hbm4b:s18+s10], $0x18700, s11, s10, $0x38;
	[tilespmem:$0x1B700] =	vst v63  }
0x6f: {  	_ =	swait.ge [sflag:s12], $0x18700  }
0x70: {  	[sflag:s12] =	ssyncset.done $0x0  }
0x71: {  	s18 =	simm.s32 $0x0;
	[sflag:s12] =	ssyncadd.s32 $0xFFFE7900  }
0x72: {  	v1 =	vld [tilespmem:s18+$0x0];
	_ =	sdelay $0x5  }
0x73: {  	v2 =	vld [tilespmem:s18+$0x10];
	_ =	sdelay $0x1  }
0x74: {  	v1 =	vld.idx.msk [tilespmem:v1+s13+$0x0], $0xffff;
	_ =	sdelay $0x3  }
0x75: {  	v3 =	vld [tilespmem:s18+$0x20]  }
0x76: {  	[tilespmem:s18+$0x1A700] =	vst.add.f32.msk $0xffff, v1  }
0x77: {  	v1 =	vld.idx.msk [tilespmem:v2+s13+$0x0], $0xffff;
	_ =	sdelay $0x3  }
0x78: {  	v2 =	vld [tilespmem:s18+$0x30]  }
0x79: {  	[tilespmem:s18+$0x1A710] =	vst.add.f32.msk $0xffff, v1  }
0x7a: {  	v1 =	vld.idx.msk [tilespmem:v3+s13+$0x0], $0xffff;
	_ =	sdelay $0x3  }
0x7b: {  	v3 =	vld [tilespmem:s18+$0x40]  }
0x7c: {  	[tilespmem:s18+$0x1A720] =	vst.add.f32.msk $0xffff, v1  }
0x7d: {  	v1 =	vld.idx.msk [tilespmem:v2+s13+$0x0], $0xffff;
	_ =	sdelay $0x3  }
0x7e: {  	v2 =	vld [tilespmem:s18+$0x50]  }
0x7f: {  	[tilespmem:s18+$0x1A730] =	vst.add.f32.msk $0xffff, v1  }
0x80: {  	v1 =	vld.idx.msk [tilespmem:v3+s13+$0x0], $0xffff;
	_ =	sdelay $0x3  }
0x81: {  	v3 =	vld [tilespmem:s18+$0x60]  }
0x82: {  	[tilespmem:s18+$0x1A740] =	vst.add.f32.msk $0xffff, v1  }
0x83: {  	v2 =	vld.idx.msk [tilespmem:v2+s13+$0x0], $0xffff;
	_ =	sdelay $0x3  }
0x84: {  	v1 =	vld [tilespmem:s18+$0x70]  }
0x85: {  	[tilespmem:s18+$0x1A750] =	vst.add.f32.msk $0xffff, v2  }
0x86: {  	v3 =	vld.idx.msk [tilespmem:v3+s13+$0x0], $0xffff;
	_ =	sdelay $0x2  }
0x87: {  	s20 =	simm.s32 $0x80  }
0x88: {  	s19 =	simm.s32 $0x400;
	v2 =	vld [tilespmem:s20+$0x0]  }
.LBB2_7:
0x89: {  	p0 =	sne.s32 s19, $0x3E00;
	[tilespmem:s18+$0x1A760] =	vst.add.f32.msk $0xffff, v3  }
0x8a: {  	v1 =	vld.idx.msk [tilespmem:v1+s13+$0x0], $0xffff;
	_ =	sdelay $0x4  }
0x8b: {  	v3 =	vld [tilespmem:s20+$0x10]  }
0x8c: {  	[tilespmem:s18+$0x1A770] =	vst.add.f32.msk $0xffff, v1;
	s18 =	smov.u32 s20  }
0x8d: {  	v1 =	vld.idx.msk [tilespmem:v2+s13+$0x0], $0xffff;
	_ =	sdelay $0x4  }
0x8e: {  	v2 =	vld [tilespmem:s18+$0x20]  }
0x8f: {  	[tilespmem:s18+$0x1A700] =	vst.add.f32.msk $0xffff, v1  }
0x90: {  	v1 =	vld.idx.msk [tilespmem:v3+s13+$0x0], $0xffff;
	_ =	sdelay $0x4  }
0x91: {  	v3 =	vld [tilespmem:s18+$0x30]  }
0x92: {  	[tilespmem:s18+$0x1A710] =	vst.add.f32.msk $0xffff, v1  }
0x93: {  	v1 =	vld.idx.msk [tilespmem:v2+s13+$0x0], $0xffff;
	_ =	sdelay $0x4  }
0x94: {  	v2 =	vld [tilespmem:s18+$0x40]  }
0x95: {  	[tilespmem:s18+$0x1A720] =	vst.add.f32.msk $0xffff, v1  }
0x96: {  	v1 =	vld.idx.msk [tilespmem:v3+s13+$0x0], $0xffff;
	_ =	sdelay $0x4  }
0x97: {  	v3 =	vld [tilespmem:s18+$0x50]  }
0x98: {  	[tilespmem:s18+$0x1A730] =	vst.add.f32.msk $0xffff, v1  }
0x99: {  	v1 =	vld.idx.msk [tilespmem:v2+s13+$0x0], $0xffff;
	_ =	sdelay $0x4  }
0x9a: {  	v2 =	vld [tilespmem:s18+$0x60]  }
0x9b: {  	[tilespmem:s18+$0x1A740] =	vst.add.f32.msk $0xffff, v1  }
0x9c: {  	v3 =	vld.idx.msk [tilespmem:v3+s13+$0x0], $0xffff;
	_ =	sdelay $0x4  }
0x9d: {  	v1 =	vld [tilespmem:s18+$0x70]  }
0x9e: {  	[tilespmem:s18+$0x1A750] =	vst.add.f32.msk $0xffff, v3  }
0x9f: {  	v3 =	vld.idx.msk [tilespmem:v2+s13+$0x0], $0xffff  }
.Ltmp2:
0xa0: {  	(pc) =	sbr.rel @p0 .LBB2_7-.Ltmp2, $3  }
0xa1: {  	_ =	sdelay $0x1  }
0xa2: {  	s20 =	sshra.s32 s19, $0x2  }
0xa3: {  	s19 =	sadd.s32 $0x200, s19;
	v2 =	vld [tilespmem:s20+$0x0]  }
0xa4: {  	_ =	sdelay $0x2  }
0xa5: {  	[tilespmem:s18+$0x1A760] =	vst.add.f32.msk $0xffff, v3  }
0xa6: {  	v1 =	vld.idx.msk [tilespmem:v1+s13+$0x0], $0xffff;
	_ =	sdelay $0x3  }
0xa7: {  	v3 =	vld [tilespmem:s20+$0x10]  }
0xa8: {  	[tilespmem:s18+$0x1A770] =	vst.add.f32.msk $0xffff, v1  }
0xa9: {  	v1 =	vld.idx.msk [tilespmem:v2+s13+$0x0], $0xffff;
	_ =	sdelay $0x3  }
0xaa: {  	v2 =	vld [tilespmem:s20+$0x20]  }
0xab: {  	[tilespmem:s20+$0x1A700] =	vst.add.f32.msk $0xffff, v1  }
0xac: {  	v1 =	vld.idx.msk [tilespmem:v3+s13+$0x0], $0xffff;
	_ =	sdelay $0x3  }
0xad: {  	v3 =	vld [tilespmem:s20+$0x30]  }
0xae: {  	[tilespmem:s20+$0x1A710] =	vst.add.f32.msk $0xffff, v1  }
0xaf: {  	v1 =	vld.idx.msk [tilespmem:v2+s13+$0x0], $0xffff;
	_ =	sdelay $0x3  }
0xb0: {  	v2 =	vld [tilespmem:s20+$0x40]  }
0xb1: {  	[tilespmem:s20+$0x1A720] =	vst.add.f32.msk $0xffff, v1  }
0xb2: {  	v1 =	vld.idx.msk [tilespmem:v3+s13+$0x0], $0xffff;
	_ =	sdelay $0x3  }
0xb3: {  	v3 =	vld [tilespmem:s20+$0x50]  }
0xb4: {  	[tilespmem:s20+$0x1A730] =	vst.add.f32.msk $0xffff, v1  }
0xb5: {  	v1 =	vld.idx.msk [tilespmem:v2+s13+$0x0], $0xffff;
	_ =	sdelay $0x3  }
0xb6: {  	v2 =	vld [tilespmem:s20+$0x60]  }
0xb7: {  	[tilespmem:s20+$0x1A740] =	vst.add.f32.msk $0xffff, v1  }
0xb8: {  	v1 =	vld.idx.msk [tilespmem:v3+s13+$0x0], $0xffff;
	_ =	sdelay $0x3  }
0xb9: {  	v3 =	vld [tilespmem:s20+$0x70]  }
0xba: {  	[tilespmem:s20+$0x1A750] =	vst.add.f32.msk $0xffff, v1  }
0xbb: {  	v1 =	vld.idx.msk [tilespmem:v2+s13+$0x0], $0xffff;
	_ =	sdelay $0x4  }
0xbc: {  	s17 =	sadd.s32 $0x1, s17;
	[tilespmem:s20+$0x1A760] =	vst.add.f32.msk $0xffff, v1  }
0xbd: {  	p0 =	sne.s32 s17, $0x1A;
	v1 =	vld.idx.msk [tilespmem:v3+s13+$0x0], $0xffff  }
.Ltmp3:
0xbe: {  	_ = 	snop;
	(pc) =	sbr.rel @p0 .LBB2_4-.Ltmp3, $2  }
0xbf: {  	_ =	sdelay $0x2  }
0xc0: {  	[tilespmem:s20+$0x1A770] =	vst.add.f32.msk $0xffff, v1  }
0xc1: {  	s15 =	sadd.s32 $0x1, s15  }
0xc2: {  	p0 =	sne.s32 s15, s9  }
.Ltmp4:
0xc3: {  	_ = 	snop;
	(pc) =	sbr.rel @p0 .LBB2_1-.Ltmp4, $4  }
0xc4: {  	[hbm4b:s8+s4] =	stream.linear.scatter [tilespmem:s14], [sflag:$0x1], $0x2000, $0x38;
	[tilespmem:$0x1B700] =	vst v63  }
0xc5: {  	_ =	swait.ge [sflag:s12], $0x2000  }
0xc6: {  	[sflag:s12] =	ssyncset.done $0x0  }
0xc7: {  	[sflag:s12] =	ssyncadd.s32 $0xFFFFE000  }
0xc8: {  	_ =	sfence.sel $0x180000  }
0xc9: {  	[bflag:$0x0] =	sbarrier.arrive $0xFFFF  }
0xca: {  	p0 =	sne.s32 s0, $0x0;
	_ =	strace $0x90000047  }
0xcb: {  	s0 =	sadd.s32 @!p0 $0x100000, s2;
	[bflag:$0x2] =	sbarrier.arrive $0xFFFF  }
0xcc: {  	[sflag:s0] =	ssyncadd.tile.s32 @!p0 $0x1;
	_ =	shalt  }
.Lfunc_end2:
_tile_overlayer_lowered:
.L_overlay_start_2:
0xcd: {  	(tag) =	ssettag $0x2  }
0xce: {  	s0 =	rddreg [dreg:$0x0];
	s2 =	stileid.u32  }
0xcf: {  	s1 =	rddreg [dreg:$0x1];
	p0 =	sne.s32 s2, $0x0  }
0xd0: {  	s3 =	rddreg [dreg:$0x2];
	[bflag:$0x3] =	sbarrier.arrive $0xFFFF;
	s2 =	simm.s32 @!p0 $0x1C01  }
0xd1: {  	[timem:s3], [sflag:s2] =	dma.local @!p0 [hbm:s0], s1  }
0xd2: {  	s0 =	simm.s32 @!p0 $0x1  }
0xd3: {  	_ =	swait.ge @!p0 [sflag:s0], s1  }
0xd4: {  	s1 =	ssub.s32 @!p0 $0x0, s1;
	[sflag:s0] =	ssyncset.done @!p0 $0x0  }
0xd5: {  	[sflag:s0] =	ssyncadd.s32 @!p0 s1  }
0xd6: {  	[bflag:$0x3] =	sbarrier.arrive $0xFFFF  }
0xd7: {  	_ =	shalt  }

</sc_bundles>
